<compile_context>
chip_gen: v7x
topology: tpu7x:2x2x1
jax: 0.10.2.dev20260603
libtpu: 0.0.44.dev20260713+nightly
codegen_flags: <defaults>
</compile_context>

<pallas_src>
import functools
import jax
import jax.numpy as jnp
import numpy as np
from jax import lax
from jax.experimental import pallas as pl
from jax.experimental.pallas import tpu as pltpu
from jax.experimental.pallas import tpu_sc as plsc

_BLOCK = 8192
_D = 128
_N0, _N1, _V0, _V1 = 10, 100, 7, 11
_F = _N0 + _N1
_LOG2E = float(np.log2(np.e))

_SEL = np.zeros((4, _D), np.float32)
_SEL[1, :_N0] = 1.0
_SEL[3, _N0:_F] = 1.0

_CROW = np.zeros((1, _D), np.float32)
_G0ROW = np.zeros((1, _D), np.float32); _G0ROW[0, :_N0] = -_LOG2E
_G1ROW = np.zeros((1, _D), np.float32); _G1ROW[0, _N0:_F] = -_LOG2E
_M150 = np.zeros((1, _D), np.float32); _M150[0, _F:] = -150.0
_MONE = np.zeros((1, _D), np.float32); _MONE[0, _F:] = -1.0

_SC0 = np.zeros((_N0, _D), np.float32)
_SC0[np.arange(_N0), np.arange(_N0)] = 1.0
_SC1 = np.zeros((_N1, _D), np.float32)
_SC1[np.arange(_N1), _N0 + np.arange(_N1)] = 1.0


def _rows_scatter(k, off):
    p = np.zeros((_D, k), np.float32)
    p[off + np.arange(k), np.arange(k)] = 1.0
    return p

_P0 = _rows_scatter(_N0, 0)
_P1 = _rows_scatter(_N1, _N0)


def _dot(a, b):
    return jax.lax.dot_general(a, b, (((1,), (0,)), ((), ())),
                               preferred_element_type=jnp.float32)



def _make_sc_gather(batch):
    info = plsc.get_sparse_core_info()
    nw = info.num_cores * info.num_subcores
    b_per_w = batch // nw
    chunks = b_per_w // 128
    mesh = plsc.VectorSubcoreMesh(core_axis_name="c", subcore_axis_name="s")

    @functools.partial(
        pl.kernel, mesh=mesh,
        out_type=jax.ShapeDtypeStruct((batch, _D), jnp.float32),
        scratch_types=[
            pltpu.VMEM((b_per_w,), jnp.float32),
            pltpu.VMEM((b_per_w,), jnp.float32),
            pltpu.VMEM((b_per_w,), jnp.int32),
            pltpu.VMEM((b_per_w,), jnp.int32),
            pltpu.VMEM((b_per_w, _D), jnp.float32),
            pltpu.SemaphoreType.DMA,
        ],
    )
    def sc_gather(c0_hbm, c2_hbm, e0_hbm, e1_hbm, out_hbm,
                  x0_v, x2_v, i0_v, i1_v, rows_v, sem):
        wid = lax.axis_index("s") * info.num_cores + lax.axis_index("c")
        base = wid * b_per_w
        pltpu.sync_copy(c0_hbm.at[pl.ds(base, b_per_w)], x0_v)
        pltpu.sync_copy(c2_hbm.at[pl.ds(base, b_per_w)], x2_v)

        def body(i, carry):
            s = pl.ds(i * 16, 16)
            i0_v[s] = x0_v[s].astype(jnp.int32)
            i1_v[s] = x2_v[s].astype(jnp.int32)
            return carry

        lax.fori_loop(0, b_per_w // 16, body, 0)
        for j in range(chunks):
            s = pl.ds(j * 128, 128)
            pltpu.async_copy(e0_hbm.at[i0_v.at[s]], rows_v.at[s, :], sem).wait()
            pltpu.async_copy(e1_hbm.at[i1_v.at[s]], rows_v.at[s, :], sem,
                             add=True).wait()
        pltpu.sync_copy(rows_v, out_hbm.at[pl.ds(base, b_per_w)])

    return sc_gather



def _tc_body(cond_ref, gath_ref, w0_ref, w1_ref, b0_ref, b1_ref,
             c0_ref, c1_ref, g0_ref, g1_ref,
             p0_ref, p1_ref, sc0_ref, sc1_ref,
             g0row_ref, g1row_ref, m150_ref, mone_ref, mrow_ref, sel_ref,
             out_ref, w_s, crow_s, prow_s, bias_s):
    @pl.when(pl.program_id(0) == 0)
    def _assemble():
        w_s[...] = (_dot(p0_ref[...], w0_ref[...]) +
                    _dot(p1_ref[...], w1_ref[...]))
        crow_s[...] = (_dot(c0_ref[...], sc0_ref[...]) +
                       _dot(c1_ref[...], sc1_ref[...]) + mone_ref[0:1, :])
        prow_s[...] = (g0_ref[0:1, 0:1] * g0row_ref[0:1, :] +
                       g1_ref[0:1, 0:1] * g1row_ref[0:1, :] + m150_ref[0:1, :])
        bias_s[...] = b0_ref[0:1, :] + b1_ref[0:1, :]

    cond = cond_ref[...]
    catmask = mrow_ref[0:1, :] != 0.0
    g4 = jnp.where(catmask, jnp.floor(cond), cond)
    xb = _dot(g4, sel_ref[...])
    d = xb - crow_s[0:1, :]
    feats = jnp.exp2(prow_s[0:1, :] * d * d)
    out_ref[...] = _dot(feats, w_s[...]) + bias_s[0:1, :] + gath_ref[...]


def kernel(condition, centers0, gamma0, W0, b0, centers1, gamma1, W1, b1,
           emb0, emb1):
    batch = condition.shape[0]
    gath = _make_sc_gather(batch)(
        condition[:, 0], condition[:, 2], emb0, emb1)
    full = lambda shape: pl.BlockSpec(shape, lambda i: tuple(0 for _ in shape))
    return pl.pallas_call(
        _tc_body,
        grid=(batch // _BLOCK,),
        in_specs=[
            pl.BlockSpec((_BLOCK, 4), lambda i: (i, 0)),
            pl.BlockSpec((_BLOCK, _D), lambda i: (i, 0)),
            full((_N0, _D)), full((_N1, _D)),
            full((1, _D)), full((1, _D)),
            full((1, _N0)), full((1, _N1)),
            full((1, 1)), full((1, 1)),
            full((_D, _N0)), full((_D, _N1)),
            full((_N0, _D)), full((_N1, _D)),
            full((1, _D)), full((1, _D)), full((1, _D)), full((1, _D)),
            full((1, 4)), full((4, _D)),
        ],
        out_specs=pl.BlockSpec((_BLOCK, _D), lambda i: (i, 0)),
        out_shape=jax.ShapeDtypeStruct((batch, _D), jnp.float32),
        scratch_shapes=[
            pltpu.VMEM((_D, _D), jnp.float32),
            pltpu.VMEM((1, _D), jnp.float32),
            pltpu.VMEM((1, _D), jnp.float32),
            pltpu.VMEM((1, _D), jnp.float32),
        ],
    )(condition, gath, W0, W1, b0.reshape(1, _D), b1.reshape(1, _D),
      centers0.reshape(1, _N0), centers1.reshape(1, _N1),
      gamma0.reshape(1, 1), gamma1.reshape(1, 1),
      jnp.asarray(_P0), jnp.asarray(_P1),
      jnp.asarray(_SC0), jnp.asarray(_SC1),
      jnp.asarray(_G0ROW), jnp.asarray(_G1ROW),
      jnp.asarray(_M150), jnp.asarray(_MONE),
      np.array([[1.0, 0.0, 1.0, 0.0]], np.float32), jnp.asarray(_SEL))

# --- scband reference (transcript-rebuilt; emitter-appended) ---
"""Pipeline reference for scband-condition-embeding-11407433138846 (READ-ONLY COPY).

The authoritative reference and input builder live on the scoring server;
editing this copy changes nothing except your own understanding.
"""

import jax, jax.numpy as jnp
import numpy as np

EMBED_DIM = 128
BATCH = 16384

def setup_inputs(seed: int = 0) -> dict:
    key = jax.random.key(seed)
    ks = jax.random.split(key, 8)
    # condition: [B, 4] float32 in [0,1). Columns 0,2 are categorical indices
    # (truncated to int64 in forward; values in [0,1) -> index 0, in-range for
    # tables of size 7 and 11). Columns 1,3 are float features for the RBFs.
    condition = jax.random.uniform(ks[0], (BATCH, 4), dtype=jnp.float32)
    # RBF params (defaults from the module): eluent centers arange(0,1,0.1),
    # grain_radian centers arange(0,10,0.1), gamma=10.0 each.
    centers0 = jnp.arange(0.0, 1.0, 0.1, dtype=jnp.float32)      # 10 centers
    gamma0 = jnp.array([10.0], dtype=jnp.float32)
    centers1 = jnp.arange(0.0, 10.0, 0.1, dtype=jnp.float32)     # 100 centers
    gamma1 = jnp.array([10.0], dtype=jnp.float32)
    # Linear layers: stored as [in, out] so forward is rbf_x @ W + b
    W0 = jax.random.normal(ks[1], (centers0.shape[0], EMBED_DIM), dtype=jnp.float32) * (1.0 / np.sqrt(centers0.shape[0]))
    b0 = jax.random.normal(ks[2], (EMBED_DIM,), dtype=jnp.float32) * 0.01
    W1 = jax.random.normal(ks[3], (centers1.shape[0], EMBED_DIM), dtype=jnp.float32) * (1.0 / np.sqrt(centers1.shape[0]))
    b1 = jax.random.normal(ks[4], (EMBED_DIM,), dtype=jnp.float32) * 0.01
    # Embedding tables: silica_surface (2+5=7 rows), replace_basis (6+5=11 rows)
    emb0 = jax.random.normal(ks[5], (7, EMBED_DIM), dtype=jnp.float32)
    emb1 = jax.random.normal(ks[6], (11, EMBED_DIM), dtype=jnp.float32)
    return {"condition": condition, "centers0": centers0, "gamma0": gamma0,
            "W0": W0, "b0": b0, "centers1": centers1, "gamma1": gamma1,
            "W1": W1, "b1": b1, "emb0": emb0, "emb1": emb1}

def _rbf(x, centers, gamma):
    # x: [B], centers: [C] -> [B, C]
    x = x.reshape(-1, 1)
    return jnp.exp(-gamma * jnp.square(x - centers.reshape(1, -1)))

def reference(condition, centers0, gamma0, W0, b0, centers1, gamma1, W1, b1, emb0, emb1):
    # float features: condition[:, 2*i + 1]
    out = _rbf(condition[:, 1], centers0, gamma0) @ W0 + b0
    out = out + _rbf(condition[:, 3], centers1, gamma1) @ W1 + b1
    # categorical features: condition[:, 2*i] -> int64 -> embedding gather
    idx0 = condition[:, 0].astype(jnp.int64)
    idx1 = condition[:, 2].astype(jnp.int64)
    out = out + jnp.take(emb0, idx0, axis=0)
    out = out + jnp.take(emb1, idx1, axis=0)
    return out

if __name__ == "__main__":
    import jax
    _d = setup_inputs()
    print(jax.jit(kernel)(*tuple(_d.values())))

</pallas_src>

<mosaic_0001>
#map = affine_map<(d0, d1) -> (0)>
#map1 = affine_map<(d0, d1) -> (0, 0)>
module attributes {stable_mosaic.version = 14 : i64} {
  func.func @sc_gather(%arg0: i32, %arg1: i32, %arg2: memref<16384xf32, #tpu.memory_space<hbm>>, %arg3: memref<16384xf32, #tpu.memory_space<hbm>>, %arg4: memref<7x128xf32, #tpu.memory_space<hbm>>, %arg5: memref<11x128xf32, #tpu.memory_space<hbm>>, %arg6: memref<16384x128xf32, #tpu.memory_space<hbm>>, %arg7: memref<512xf32, #tpu.memory_space<vmem>>, %arg8: memref<512xf32, #tpu.memory_space<vmem>>, %arg9: memref<512xi32, #tpu.memory_space<vmem>>, %arg10: memref<512xi32, #tpu.memory_space<vmem>>, %arg11: memref<512x128xf32, #tpu.memory_space<vmem>>, %arg12: memref<!tpu.dma_semaphore, #tpu.memory_space<semaphore_mem>>) attributes {dimension_semantics = [#tpu.dimension_semantics<core_parallel>, #tpu.dimension_semantics<subcore_parallel>], iteration_bounds = array<i64: 2, 16>, scalar_prefetch = 0 : i64, scratch_operands = 6 : i64, tpu.core_type = #tpu.core_type<sc_vector_subcore>, window_params = [{transform_indices = #map}, {transform_indices = #map}, {transform_indices = #map1}, {transform_indices = #map1}, {transform_indices = #map1}]} {
    %mul3A = arith.constant 2 : i32
    %mul3A_0 = arith.muli %arg1, %mul3A : i32
    %add3A = arith.addi %mul3A_0, %arg0 : i32
    %mul3A_1 = arith.constant 512 : i32
    %mul3A_2 = arith.muli %add3A, %mul3A_1 : i32
    "tpu.region"() ({
      %run_scoped3A = tpu.sem_alloc : memref<!tpu.dma_semaphore, #tpu.memory_space<semaphore_mem>>
      %dma_start3A_134 = tpu.memref_slice %arg2[%mul3A_2] : memref<16384xf32, #tpu.memory_space<hbm>> -> memref<512xf32, #tpu.memory_space<hbm>>
      %dma_start3A_135 = tpu.memref_slice %arg2[%mul3A_2] : memref<16384xf32, #tpu.memory_space<hbm>> -> memref<512xf32, #tpu.memory_space<hbm>>
      tpu.enqueue_dma source(%dma_start3A_135 : memref<512xf32, #tpu.memory_space<hbm>>) target(%arg7 : memref<512xf32, #tpu.memory_space<vmem>>) target_semaphore(%run_scoped3A : memref<!tpu.dma_semaphore, #tpu.memory_space<semaphore_mem>>)
      %dma_wait3A_136 = tpu.memref_slice %arg2[%mul3A_2] : memref<16384xf32, #tpu.memory_space<hbm>> -> memref<512xf32, #tpu.memory_space<hbm>>
      %dma_wait3A_137 = tpu.memref_slice %arg2[%mul3A_2] : memref<16384xf32, #tpu.memory_space<hbm>> -> memref<512xf32, #tpu.memory_space<hbm>>
      tpu.wait_dma2 semaphore(%run_scoped3A : memref<!tpu.dma_semaphore, #tpu.memory_space<semaphore_mem>>) src(%dma_wait3A_137 : memref<512xf32, #tpu.memory_space<hbm>>) dst(%arg7 : memref<512xf32, #tpu.memory_space<vmem>>)
      tpu.yield
    }) : () -> ()
    "tpu.region"() ({
      %run_scoped3A = tpu.sem_alloc : memref<!tpu.dma_semaphore, #tpu.memory_space<semaphore_mem>>
      %dma_start3A_134 = tpu.memref_slice %arg3[%mul3A_2] : memref<16384xf32, #tpu.memory_space<hbm>> -> memref<512xf32, #tpu.memory_space<hbm>>
      %dma_start3A_135 = tpu.memref_slice %arg3[%mul3A_2] : memref<16384xf32, #tpu.memory_space<hbm>> -> memref<512xf32, #tpu.memory_space<hbm>>
      tpu.enqueue_dma source(%dma_start3A_135 : memref<512xf32, #tpu.memory_space<hbm>>) target(%arg8 : memref<512xf32, #tpu.memory_space<vmem>>) target_semaphore(%run_scoped3A : memref<!tpu.dma_semaphore, #tpu.memory_space<semaphore_mem>>)
      %dma_wait3A_136 = tpu.memref_slice %arg3[%mul3A_2] : memref<16384xf32, #tpu.memory_space<hbm>> -> memref<512xf32, #tpu.memory_space<hbm>>
      %dma_wait3A_137 = tpu.memref_slice %arg3[%mul3A_2] : memref<16384xf32, #tpu.memory_space<hbm>> -> memref<512xf32, #tpu.memory_space<hbm>>
      tpu.wait_dma2 semaphore(%run_scoped3A : memref<!tpu.dma_semaphore, #tpu.memory_space<semaphore_mem>>) src(%dma_wait3A_137 : memref<512xf32, #tpu.memory_space<hbm>>) dst(%arg8 : memref<512xf32, #tpu.memory_space<vmem>>)
      tpu.yield
    }) : () -> ()
    %scan3A = arith.constant 0 : i32
    %scan3A_3 = arith.constant 0 : i32
    %scan3A_4 = arith.constant 32 : i32
    %scan3A_5 = arith.addi %scan3A_3, %scan3A_4 : i32
    %scan3A_6 = arith.constant 1 : i32
    scf.for %scan3A_134 = %scan3A_3 to %scan3A_5 step %scan3A_6  : i32 {
      %mul3A_135 = arith.constant 16 : i32
      %mul3A_136 = arith.muli %scan3A_134, %mul3A_135 : i32
      %get3A = arith.index_cast %mul3A_136 : i32 to index
      %get3A_137 = tpu.vector_load %arg7[%get3A] {strides = array<i32>} : memref<512xf32, #tpu.memory_space<vmem>>, vector<16xf32>,
      %get3A_138 = vector.shape_cast %get3A_137 : vector<16xf32> to vector<16xf32>
      %convert_element_type3A = arith.fptosi %get3A_138 : vector<16xf32> to vector<16xi32>
      %swap3A = arith.index_cast %mul3A_136 : i32 to index
      %swap3A_139 = tpu.vector_load %arg9[%swap3A] {strides = array<i32>} : memref<512xi32, #tpu.memory_space<vmem>>, vector<16xi32>,
      %swap3A_140 = vector.shape_cast %swap3A_139 : vector<16xi32> to vector<16xi32>
      %swap3A_141 = vector.shape_cast %convert_element_type3A : vector<16xi32> to vector<16xi32>
      tpu.vector_store %arg9[%swap3A], %swap3A_141 {strides = array<i32>} : memref<512xi32, #tpu.memory_space<vmem>>, vector<16xi32>,
      %get3A_142 = arith.index_cast %mul3A_136 : i32 to index
      %get3A_143 = tpu.vector_load %arg8[%get3A_142] {strides = array<i32>} : memref<512xf32, #tpu.memory_space<vmem>>, vector<16xf32>,
      %get3A_144 = vector.shape_cast %get3A_143 : vector<16xf32> to vector<16xf32>
      %convert_element_type3A_145 = arith.fptosi %get3A_144 : vector<16xf32> to vector<16xi32>
      %swap3A_146 = arith.index_cast %mul3A_136 : i32 to index
      %swap3A_147 = tpu.vector_load %arg10[%swap3A_146] {strides = array<i32>} : memref<512xi32, #tpu.memory_space<vmem>>, vector<16xi32>,
      %swap3A_148 = vector.shape_cast %swap3A_147 : vector<16xi32> to vector<16xi32>
      %swap3A_149 = vector.shape_cast %convert_element_type3A_145 : vector<16xi32> to vector<16xi32>
      tpu.vector_store %arg10[%swap3A_146], %swap3A_149 {strides = array<i32>} : memref<512xi32, #tpu.memory_space<vmem>>, vector<16xi32>,
    }
    %scan3A_7 = arith.constant 32 : i32
    %dma_start3A = arith.constant 0 : i32
    %dma_start3A_8 = arith.constant 0 : i32
    %dma_start3A_9 = tpu.memref_slice %arg11[%dma_start3A, %dma_start3A_8] : memref<512x128xf32, #tpu.memory_space<vmem>> -> memref<128x128xf32, #tpu.memory_space<vmem>>
    %dma_start3A_10 = arith.constant 0 : i32
    %dma_start3A_11 = tpu.memref_slice %arg9[%dma_start3A_10] : memref<512xi32, #tpu.memory_space<vmem>> -> memref<128xi32, #tpu.memory_space<vmem>>
    %dma_start3A_12 = arith.constant 0 : i32
    %dma_start3A_13 = arith.constant 0 : i32
    %dma_start3A_14 = tpu.memref_slice %arg4[%dma_start3A_12, %dma_start3A_13] : memref<7x128xf32, #tpu.memory_space<hbm>> -> memref<7x128xf32, #tpu.memory_space<hbm>>
    tpu.enqueue_indirect_dma source(%dma_start3A_14 : memref<7x128xf32, #tpu.memory_space<hbm>>) target(%dma_start3A_9 : memref<128x128xf32, #tpu.memory_space<vmem>>) offsets(%dma_start3A_11 : memref<128xi32, #tpu.memory_space<vmem>>) semaphore(%arg12 : memref<!tpu.dma_semaphore, #tpu.memory_space<semaphore_mem>>)
    %dma_wait3A = arith.constant 0 : i32
    %dma_wait3A_15 = arith.constant 0 : i32
    %dma_wait3A_16 = tpu.memref_slice %arg11[%dma_wait3A, %dma_wait3A_15] : memref<512x128xf32, #tpu.memory_space<vmem>> -> memref<128x128xf32, #tpu.memory_space<vmem>>
    %dma_wait3A_17 = arith.constant 0 : i32
    %dma_wait3A_18 = tpu.memref_slice %arg9[%dma_wait3A_17] : memref<512xi32, #tpu.memory_space<vmem>> -> memref<128xi32, #tpu.memory_space<vmem>>
    %dma_wait3A_19 = arith.constant 0 : i32
    %dma_wait3A_20 = arith.constant 0 : i32
    %dma_wait3A_21 = tpu.memref_slice %arg4[%dma_wait3A_19, %dma_wait3A_20] : memref<7x128xf32, #tpu.memory_space<hbm>> -> memref<7x128xf32, #tpu.memory_space<hbm>>
    tpu.wait_indirect_dma semaphore(%arg12 : memref<!tpu.dma_semaphore, #tpu.memory_space<semaphore_mem>>) src(%dma_wait3A_21 : memref<7x128xf32, #tpu.memory_space<hbm>>) dst(%dma_wait3A_16 : memref<128x128xf32, #tpu.memory_space<vmem>>)
    %dma_start3A_22 = arith.constant 0 : i32
    %dma_start3A_23 = arith.constant 0 : i32
    %dma_start3A_24 = tpu.memref_slice %arg11[%dma_start3A_22, %dma_start3A_23] : memref<512x128xf32, #tpu.memory_space<vmem>> -> memref<128x128xf32, #tpu.memory_space<vmem>>
    %dma_start3A_25 = arith.constant 0 : i32
    %dma_start3A_26 = tpu.memref_slice %arg10[%dma_start3A_25] : memref<512xi32, #tpu.memory_space<vmem>> -> memref<128xi32, #tpu.memory_space<vmem>>
    %dma_start3A_27 = arith.constant 0 : i32
    %dma_start3A_28 = arith.constant 0 : i32
    %dma_start3A_29 = tpu.memref_slice %arg5[%dma_start3A_27, %dma_start3A_28] : memref<11x128xf32, #tpu.memory_space<hbm>> -> memref<11x128xf32, #tpu.memory_space<hbm>>
    tpu.enqueue_indirect_dma source(%dma_start3A_29 : memref<11x128xf32, #tpu.memory_space<hbm>>) target(%dma_start3A_24 : memref<128x128xf32, #tpu.memory_space<vmem>>) offsets(%dma_start3A_26 : memref<128xi32, #tpu.memory_space<vmem>>) semaphore(%arg12 : memref<!tpu.dma_semaphore, #tpu.memory_space<semaphore_mem>>) {add = true}
    %dma_wait3A_30 = arith.constant 0 : i32
    %dma_wait3A_31 = arith.constant 0 : i32
    %dma_wait3A_32 = tpu.memref_slice %arg11[%dma_wait3A_30, %dma_wait3A_31] : memref<512x128xf32, #tpu.memory_space<vmem>> -> memref<128x128xf32, #tpu.memory_space<vmem>>
    %dma_wait3A_33 = arith.constant 0 : i32
    %dma_wait3A_34 = tpu.memref_slice %arg10[%dma_wait3A_33] : memref<512xi32, #tpu.memory_space<vmem>> -> memref<128xi32, #tpu.memory_space<vmem>>
    %dma_wait3A_35 = arith.constant 0 : i32
    %dma_wait3A_36 = arith.constant 0 : i32
    %dma_wait3A_37 = tpu.memref_slice %arg5[%dma_wait3A_35, %dma_wait3A_36] : memref<11x128xf32, #tpu.memory_space<hbm>> -> memref<11x128xf32, #tpu.memory_space<hbm>>
    tpu.wait_indirect_dma semaphore(%arg12 : memref<!tpu.dma_semaphore, #tpu.memory_space<semaphore_mem>>) src(%dma_wait3A_37 : memref<11x128xf32, #tpu.memory_space<hbm>>) dst(%dma_wait3A_32 : memref<128x128xf32, #tpu.memory_space<vmem>>)
    %dma_start3A_38 = arith.constant 128 : i32
    %dma_start3A_39 = arith.constant 0 : i32
    %dma_start3A_40 = tpu.memref_slice %arg11[%dma_start3A_38, %dma_start3A_39] : memref<512x128xf32, #tpu.memory_space<vmem>> -> memref<128x128xf32, #tpu.memory_space<vmem>>
    %dma_start3A_41 = arith.constant 128 : i32
    %dma_start3A_42 = tpu.memref_slice %arg9[%dma_start3A_41] : memref<512xi32, #tpu.memory_space<vmem>> -> memref<128xi32, #tpu.memory_space<vmem>>
    %dma_start3A_43 = arith.constant 0 : i32
    %dma_start3A_44 = arith.constant 0 : i32
    %dma_start3A_45 = tpu.memref_slice %arg4[%dma_start3A_43, %dma_start3A_44] : memref<7x128xf32, #tpu.memory_space<hbm>> -> memref<7x128xf32, #tpu.memory_space<hbm>>
    tpu.enqueue_indirect_dma source(%dma_start3A_45 : memref<7x128xf32, #tpu.memory_space<hbm>>) target(%dma_start3A_40 : memref<128x128xf32, #tpu.memory_space<vmem>>) offsets(%dma_start3A_42 : memref<128xi32, #tpu.memory_space<vmem>>) semaphore(%arg12 : memref<!tpu.dma_semaphore, #tpu.memory_space<semaphore_mem>>)
    %dma_wait3A_46 = arith.constant 128 : i32
    %dma_wait3A_47 = arith.constant 0 : i32
    %dma_wait3A_48 = tpu.memref_slice %arg11[%dma_wait3A_46, %dma_wait3A_47] : memref<512x128xf32, #tpu.memory_space<vmem>> -> memref<128x128xf32, #tpu.memory_space<vmem>>
    %dma_wait3A_49 = arith.constant 128 : i32
    %dma_wait3A_50 = tpu.memref_slice %arg9[%dma_wait3A_49] : memref<512xi32, #tpu.memory_space<vmem>> -> memref<128xi32, #tpu.memory_space<vmem>>
    %dma_wait3A_51 = arith.constant 0 : i32
    %dma_wait3A_52 = arith.constant 0 : i32
    %dma_wait3A_53 = tpu.memref_slice %arg4[%dma_wait3A_51, %dma_wait3A_52] : memref<7x128xf32, #tpu.memory_space<hbm>> -> memref<7x128xf32, #tpu.memory_space<hbm>>
    tpu.wait_indirect_dma semaphore(%arg12 : memref<!tpu.dma_semaphore, #tpu.memory_space<semaphore_mem>>) src(%dma_wait3A_53 : memref<7x128xf32, #tpu.memory_space<hbm>>) dst(%dma_wait3A_48 : memref<128x128xf32, #tpu.memory_space<vmem>>)
    %dma_start3A_54 = arith.constant 128 : i32
    %dma_start3A_55 = arith.constant 0 : i32
    %dma_start3A_56 = tpu.memref_slice %arg11[%dma_start3A_54, %dma_start3A_55] : memref<512x128xf32, #tpu.memory_space<vmem>> -> memref<128x128xf32, #tpu.memory_space<vmem>>
    %dma_start3A_57 = arith.constant 128 : i32
    %dma_start3A_58 = tpu.memref_slice %arg10[%dma_start3A_57] : memref<512xi32, #tpu.memory_space<vmem>> -> memref<128xi32, #tpu.memory_space<vmem>>
    %dma_start3A_59 = arith.constant 0 : i32
    %dma_start3A_60 = arith.constant 0 : i32
    %dma_start3A_61 = tpu.memref_slice %arg5[%dma_start3A_59, %dma_start3A_60] : memref<11x128xf32, #tpu.memory_space<hbm>> -> memref<11x128xf32, #tpu.memory_space<hbm>>
    tpu.enqueue_indirect_dma source(%dma_start3A_61 : memref<11x128xf32, #tpu.memory_space<hbm>>) target(%dma_start3A_56 : memref<128x128xf32, #tpu.memory_space<vmem>>) offsets(%dma_start3A_58 : memref<128xi32, #tpu.memory_space<vmem>>) semaphore(%arg12 : memref<!tpu.dma_semaphore, #tpu.memory_space<semaphore_mem>>) {add = true}
    %dma_wait3A_62 = arith.constant 128 : i32
    %dma_wait3A_63 = arith.constant 0 : i32
    %dma_wait3A_64 = tpu.memref_slice %arg11[%dma_wait3A_62, %dma_wait3A_63] : memref<512x128xf32, #tpu.memory_space<vmem>> -> memref<128x128xf32, #tpu.memory_space<vmem>>
    %dma_wait3A_65 = arith.constant 128 : i32
    %dma_wait3A_66 = tpu.memref_slice %arg10[%dma_wait3A_65] : memref<512xi32, #tpu.memory_space<vmem>> -> memref<128xi32, #tpu.memory_space<vmem>>
    %dma_wait3A_67 = arith.constant 0 : i32
    %dma_wait3A_68 = arith.constant 0 : i32
    %dma_wait3A_69 = tpu.memref_slice %arg5[%dma_wait3A_67, %dma_wait3A_68] : memref<11x128xf32, #tpu.memory_space<hbm>> -> memref<11x128xf32, #tpu.memory_space<hbm>>
    tpu.wait_indirect_dma semaphore(%arg12 : memref<!tpu.dma_semaphore, #tpu.memory_space<semaphore_mem>>) src(%dma_wait3A_69 : memref<11x128xf32, #tpu.memory_space<hbm>>) dst(%dma_wait3A_64 : memref<128x128xf32, #tpu.memory_space<vmem>>)
    %dma_start3A_70 = arith.constant 256 : i32
    %dma_start3A_71 = arith.constant 0 : i32
    %dma_start3A_72 = tpu.memref_slice %arg11[%dma_start3A_70, %dma_start3A_71] : memref<512x128xf32, #tpu.memory_space<vmem>> -> memref<128x128xf32, #tpu.memory_space<vmem>>
    %dma_start3A_73 = arith.constant 256 : i32
    %dma_start3A_74 = tpu.memref_slice %arg9[%dma_start3A_73] : memref<512xi32, #tpu.memory_space<vmem>> -> memref<128xi32, #tpu.memory_space<vmem>>
    %dma_start3A_75 = arith.constant 0 : i32
    %dma_start3A_76 = arith.constant 0 : i32
    %dma_start3A_77 = tpu.memref_slice %arg4[%dma_start3A_75, %dma_start3A_76] : memref<7x128xf32, #tpu.memory_space<hbm>> -> memref<7x128xf32, #tpu.memory_space<hbm>>
    tpu.enqueue_indirect_dma source(%dma_start3A_77 : memref<7x128xf32, #tpu.memory_space<hbm>>) target(%dma_start3A_72 : memref<128x128xf32, #tpu.memory_space<vmem>>) offsets(%dma_start3A_74 : memref<128xi32, #tpu.memory_space<vmem>>) semaphore(%arg12 : memref<!tpu.dma_semaphore, #tpu.memory_space<semaphore_mem>>)
    %dma_wait3A_78 = arith.constant 256 : i32
    %dma_wait3A_79 = arith.constant 0 : i32
    %dma_wait3A_80 = tpu.memref_slice %arg11[%dma_wait3A_78, %dma_wait3A_79] : memref<512x128xf32, #tpu.memory_space<vmem>> -> memref<128x128xf32, #tpu.memory_space<vmem>>
    %dma_wait3A_81 = arith.constant 256 : i32
    %dma_wait3A_82 = tpu.memref_slice %arg9[%dma_wait3A_81] : memref<512xi32, #tpu.memory_space<vmem>> -> memref<128xi32, #tpu.memory_space<vmem>>
    %dma_wait3A_83 = arith.constant 0 : i32
    %dma_wait3A_84 = arith.constant 0 : i32
    %dma_wait3A_85 = tpu.memref_slice %arg4[%dma_wait3A_83, %dma_wait3A_84] : memref<7x128xf32, #tpu.memory_space<hbm>> -> memref<7x128xf32, #tpu.memory_space<hbm>>
    tpu.wait_indirect_dma semaphore(%arg12 : memref<!tpu.dma_semaphore, #tpu.memory_space<semaphore_mem>>) src(%dma_wait3A_85 : memref<7x128xf32, #tpu.memory_space<hbm>>) dst(%dma_wait3A_80 : memref<128x128xf32, #tpu.memory_space<vmem>>)
    %dma_start3A_86 = arith.constant 256 : i32
    %dma_start3A_87 = arith.constant 0 : i32
    %dma_start3A_88 = tpu.memref_slice %arg11[%dma_start3A_86, %dma_start3A_87] : memref<512x128xf32, #tpu.memory_space<vmem>> -> memref<128x128xf32, #tpu.memory_space<vmem>>
    %dma_start3A_89 = arith.constant 256 : i32
    %dma_start3A_90 = tpu.memref_slice %arg10[%dma_start3A_89] : memref<512xi32, #tpu.memory_space<vmem>> -> memref<128xi32, #tpu.memory_space<vmem>>
    %dma_start3A_91 = arith.constant 0 : i32
    %dma_start3A_92 = arith.constant 0 : i32
    %dma_start3A_93 = tpu.memref_slice %arg5[%dma_start3A_91, %dma_start3A_92] : memref<11x128xf32, #tpu.memory_space<hbm>> -> memref<11x128xf32, #tpu.memory_space<hbm>>
    tpu.enqueue_indirect_dma source(%dma_start3A_93 : memref<11x128xf32, #tpu.memory_space<hbm>>) target(%dma_start3A_88 : memref<128x128xf32, #tpu.memory_space<vmem>>) offsets(%dma_start3A_90 : memref<128xi32, #tpu.memory_space<vmem>>) semaphore(%arg12 : memref<!tpu.dma_semaphore, #tpu.memory_space<semaphore_mem>>) {add = true}
    %dma_wait3A_94 = arith.constant 256 : i32
    %dma_wait3A_95 = arith.constant 0 : i32
    %dma_wait3A_96 = tpu.memref_slice %arg11[%dma_wait3A_94, %dma_wait3A_95] : memref<512x128xf32, #tpu.memory_space<vmem>> -> memref<128x128xf32, #tpu.memory_space<vmem>>
    %dma_wait3A_97 = arith.constant 256 : i32
    %dma_wait3A_98 = tpu.memref_slice %arg10[%dma_wait3A_97] : memref<512xi32, #tpu.memory_space<vmem>> -> memref<128xi32, #tpu.memory_space<vmem>>
    %dma_wait3A_99 = arith.constant 0 : i32
    %dma_wait3A_100 = arith.constant 0 : i32
    %dma_wait3A_101 = tpu.memref_slice %arg5[%dma_wait3A_99, %dma_wait3A_100] : memref<11x128xf32, #tpu.memory_space<hbm>> -> memref<11x128xf32, #tpu.memory_space<hbm>>
    tpu.wait_indirect_dma semaphore(%arg12 : memref<!tpu.dma_semaphore, #tpu.memory_space<semaphore_mem>>) src(%dma_wait3A_101 : memref<11x128xf32, #tpu.memory_space<hbm>>) dst(%dma_wait3A_96 : memref<128x128xf32, #tpu.memory_space<vmem>>)
    %dma_start3A_102 = arith.constant 384 : i32
    %dma_start3A_103 = arith.constant 0 : i32
    %dma_start3A_104 = tpu.memref_slice %arg11[%dma_start3A_102, %dma_start3A_103] : memref<512x128xf32, #tpu.memory_space<vmem>> -> memref<128x128xf32, #tpu.memory_space<vmem>>
    %dma_start3A_105 = arith.constant 384 : i32
    %dma_start3A_106 = tpu.memref_slice %arg9[%dma_start3A_105] : memref<512xi32, #tpu.memory_space<vmem>> -> memref<128xi32, #tpu.memory_space<vmem>>
    %dma_start3A_107 = arith.constant 0 : i32
    %dma_start3A_108 = arith.constant 0 : i32
    %dma_start3A_109 = tpu.memref_slice %arg4[%dma_start3A_107, %dma_start3A_108] : memref<7x128xf32, #tpu.memory_space<hbm>> -> memref<7x128xf32, #tpu.memory_space<hbm>>
    tpu.enqueue_indirect_dma source(%dma_start3A_109 : memref<7x128xf32, #tpu.memory_space<hbm>>) target(%dma_start3A_104 : memref<128x128xf32, #tpu.memory_space<vmem>>) offsets(%dma_start3A_106 : memref<128xi32, #tpu.memory_space<vmem>>) semaphore(%arg12 : memref<!tpu.dma_semaphore, #tpu.memory_space<semaphore_mem>>)
    %dma_wait3A_110 = arith.constant 384 : i32
    %dma_wait3A_111 = arith.constant 0 : i32
    %dma_wait3A_112 = tpu.memref_slice %arg11[%dma_wait3A_110, %dma_wait3A_111] : memref<512x128xf32, #tpu.memory_space<vmem>> -> memref<128x128xf32, #tpu.memory_space<vmem>>
    %dma_wait3A_113 = arith.constant 384 : i32
    %dma_wait3A_114 = tpu.memref_slice %arg9[%dma_wait3A_113] : memref<512xi32, #tpu.memory_space<vmem>> -> memref<128xi32, #tpu.memory_space<vmem>>
    %dma_wait3A_115 = arith.constant 0 : i32
    %dma_wait3A_116 = arith.constant 0 : i32
    %dma_wait3A_117 = tpu.memref_slice %arg4[%dma_wait3A_115, %dma_wait3A_116] : memref<7x128xf32, #tpu.memory_space<hbm>> -> memref<7x128xf32, #tpu.memory_space<hbm>>
    tpu.wait_indirect_dma semaphore(%arg12 : memref<!tpu.dma_semaphore, #tpu.memory_space<semaphore_mem>>) src(%dma_wait3A_117 : memref<7x128xf32, #tpu.memory_space<hbm>>) dst(%dma_wait3A_112 : memref<128x128xf32, #tpu.memory_space<vmem>>)
    %dma_start3A_118 = arith.constant 384 : i32
    %dma_start3A_119 = arith.constant 0 : i32
    %dma_start3A_120 = tpu.memref_slice %arg11[%dma_start3A_118, %dma_start3A_119] : memref<512x128xf32, #tpu.memory_space<vmem>> -> memref<128x128xf32, #tpu.memory_space<vmem>>
    %dma_start3A_121 = arith.constant 384 : i32
    %dma_start3A_122 = tpu.memref_slice %arg10[%dma_start3A_121] : memref<512xi32, #tpu.memory_space<vmem>> -> memref<128xi32, #tpu.memory_space<vmem>>
    %dma_start3A_123 = arith.constant 0 : i32
    %dma_start3A_124 = arith.constant 0 : i32
    %dma_start3A_125 = tpu.memref_slice %arg5[%dma_start3A_123, %dma_start3A_124] : memref<11x128xf32, #tpu.memory_space<hbm>> -> memref<11x128xf32, #tpu.memory_space<hbm>>
    tpu.enqueue_indirect_dma source(%dma_start3A_125 : memref<11x128xf32, #tpu.memory_space<hbm>>) target(%dma_start3A_120 : memref<128x128xf32, #tpu.memory_space<vmem>>) offsets(%dma_start3A_122 : memref<128xi32, #tpu.memory_space<vmem>>) semaphore(%arg12 : memref<!tpu.dma_semaphore, #tpu.memory_space<semaphore_mem>>) {add = true}
    %dma_wait3A_126 = arith.constant 384 : i32
    %dma_wait3A_127 = arith.constant 0 : i32
    %dma_wait3A_128 = tpu.memref_slice %arg11[%dma_wait3A_126, %dma_wait3A_127] : memref<512x128xf32, #tpu.memory_space<vmem>> -> memref<128x128xf32, #tpu.memory_space<vmem>>
    %dma_wait3A_129 = arith.constant 384 : i32
    %dma_wait3A_130 = tpu.memref_slice %arg10[%dma_wait3A_129] : memref<512xi32, #tpu.memory_space<vmem>> -> memref<128xi32, #tpu.memory_space<vmem>>
    %dma_wait3A_131 = arith.constant 0 : i32
    %dma_wait3A_132 = arith.constant 0 : i32
    %dma_wait3A_133 = tpu.memref_slice %arg5[%dma_wait3A_131, %dma_wait3A_132] : memref<11x128xf32, #tpu.memory_space<hbm>> -> memref<11x128xf32, #tpu.memory_space<hbm>>
    tpu.wait_indirect_dma semaphore(%arg12 : memref<!tpu.dma_semaphore, #tpu.memory_space<semaphore_mem>>) src(%dma_wait3A_133 : memref<11x128xf32, #tpu.memory_space<hbm>>) dst(%dma_wait3A_128 : memref<128x128xf32, #tpu.memory_space<vmem>>)
    "tpu.region"() ({
      %run_scoped3A = tpu.sem_alloc : memref<!tpu.dma_semaphore, #tpu.memory_space<semaphore_mem>>
      %dma_start3A_134 = arith.constant 0 : i32
      %dma_start3A_135 = tpu.memref_slice %arg6[%mul3A_2, %dma_start3A_134] : memref<16384x128xf32, #tpu.memory_space<hbm>> -> memref<512x128xf32, #tpu.memory_space<hbm>>
      %dma_start3A_136 = arith.constant 0 : i32
      %dma_start3A_137 = tpu.memref_slice %arg6[%mul3A_2, %dma_start3A_136] : memref<16384x128xf32, #tpu.memory_space<hbm>> -> memref<512x128xf32, #tpu.memory_space<hbm>>
      tpu.enqueue_dma source(%arg11 : memref<512x128xf32, #tpu.memory_space<vmem>>) target(%dma_start3A_137 : memref<512x128xf32, #tpu.memory_space<hbm>>) target_semaphore(%run_scoped3A : memref<!tpu.dma_semaphore, #tpu.memory_space<semaphore_mem>>)
      %dma_wait3A_138 = arith.constant 0 : i32
      %dma_wait3A_139 = tpu.memref_slice %arg6[%mul3A_2, %dma_wait3A_138] : memref<16384x128xf32, #tpu.memory_space<hbm>> -> memref<512x128xf32, #tpu.memory_space<hbm>>
      %dma_wait3A_140 = arith.constant 0 : i32
      %dma_wait3A_141 = tpu.memref_slice %arg6[%mul3A_2, %dma_wait3A_140] : memref<16384x128xf32, #tpu.memory_space<hbm>> -> memref<512x128xf32, #tpu.memory_space<hbm>>
      tpu.wait_dma2 semaphore(%run_scoped3A : memref<!tpu.dma_semaphore, #tpu.memory_space<semaphore_mem>>) src(%arg11 : memref<512x128xf32, #tpu.memory_space<vmem>>) dst(%dma_wait3A_141 : memref<512x128xf32, #tpu.memory_space<hbm>>)
      tpu.yield
    }) : () -> ()
    return
  }
}

module attributes {stable_mosaic.version = 14 : i64} {
  func.func @_tc_body(%arg0: i32, %arg1: memref<8192x4xf32, #tpu.memory_space<vmem>>, %arg2: memref<8192x128xf32, #tpu.memory_space<vmem>>, %arg3: memref<10x128xf32, #tpu.memory_space<vmem>>, %arg4: memref<100x128xf32, #tpu.memory_space<vmem>>, %arg5: memref<1x128xf32, #tpu.memory_space<vmem>>, %arg6: memref<1x128xf32, #tpu.memory_space<vmem>>, %arg7: memref<1x10xf32, #tpu.memory_space<vmem>>, %arg8: memref<1x100xf32, #tpu.memory_space<vmem>>, %arg9: memref<1x1xf32, #tpu.memory_space<vmem>>, %arg10: memref<1x1xf32, #tpu.memory_space<vmem>>, %arg11: memref<128x10xf32, #tpu.memory_space<vmem>>, %arg12: memref<128x100xf32, #tpu.memory_space<vmem>>, %arg13: memref<10x128xf32, #tpu.memory_space<vmem>>, %arg14: memref<100x128xf32, #tpu.memory_space<vmem>>, %arg15: memref<1x128xf32, #tpu.memory_space<vmem>>, %arg16: memref<1x128xf32, #tpu.memory_space<vmem>>, %arg17: memref<1x128xf32, #tpu.memory_space<vmem>>, %arg18: memref<1x128xf32, #tpu.memory_space<vmem>>, %arg19: memref<1x4xf32, #tpu.memory_space<vmem>>, %arg20: memref<4x128xf32, #tpu.memory_space<vmem>>, %arg21: memref<8192x128xf32, #tpu.memory_space<vmem>>, %arg22: memref<128x128xf32, #tpu.memory_space<vmem>>, %arg23: memref<1x128xf32, #tpu.memory_space<vmem>>, %arg24: memref<1x128xf32, #tpu.memory_space<vmem>>, %arg25: memref<1x128xf32, #tpu.memory_space<vmem>>) attributes {dimension_semantics = [#tpu.dimension_semantics<arbitrary>], iteration_bounds = array<i64: 2>, scalar_prefetch = 0 : i64, scratch_operands = 4 : i64, tpu.core_type = #tpu.core_type<tc>, window_params = [{transform_indices = @transform_0, window_bounds = array<i64: 8192, 4>}, {transform_indices = @transform_1, window_bounds = array<i64: 8192, 128>}, {pipeline_mode = #tpu.pipeline_mode<synchronous>, transform_indices = @transform_2, window_bounds = array<i64: 10, 128>}, {pipeline_mode = #tpu.pipeline_mode<synchronous>, transform_indices = @transform_3, window_bounds = array<i64: 100, 128>}, {pipeline_mode = #tpu.pipeline_mode<synchronous>, transform_indices = @transform_4, window_bounds = array<i64: 1, 128>}, {pipeline_mode = #tpu.pipeline_mode<synchronous>, transform_indices = @transform_5, window_bounds = array<i64: 1, 128>}, {pipeline_mode = #tpu.pipeline_mode<synchronous>, transform_indices = @transform_6, window_bounds = array<i64: 1, 10>}, {pipeline_mode = #tpu.pipeline_mode<synchronous>, transform_indices = @transform_7, window_bounds = array<i64: 1, 100>}, {pipeline_mode = #tpu.pipeline_mode<synchronous>, transform_indices = @transform_8, window_bounds = array<i64: 1, 1>}, {pipeline_mode = #tpu.pipeline_mode<synchronous>, transform_indices = @transform_9, window_bounds = array<i64: 1, 1>}, {pipeline_mode = #tpu.pipeline_mode<synchronous>, transform_indices = @transform_10, window_bounds = array<i64: 128, 10>}, {pipeline_mode = #tpu.pipeline_mode<synchronous>, transform_indices = @transform_11, window_bounds = array<i64: 128, 100>}, {pipeline_mode = #tpu.pipeline_mode<synchronous>, transform_indices = @transform_12, window_bounds = array<i64: 10, 128>}, {pipeline_mode = #tpu.pipeline_mode<synchronous>, transform_indices = @transform_13, window_bounds = array<i64: 100, 128>}, {pipeline_mode = #tpu.pipeline_mode<synchronous>, transform_indices = @transform_14, window_bounds = array<i64: 1, 128>}, {pipeline_mode = #tpu.pipeline_mode<synchronous>, transform_indices = @transform_15, window_bounds = array<i64: 1, 128>}, {pipeline_mode = #tpu.pipeline_mode<synchronous>, transform_indices = @transform_16, window_bounds = array<i64: 1, 128>}, {pipeline_mode = #tpu.pipeline_mode<synchronous>, transform_indices = @transform_17, window_bounds = array<i64: 1, 128>}, {pipeline_mode = #tpu.pipeline_mode<synchronous>, transform_indices = @transform_18, window_bounds = array<i64: 1, 4>}, {pipeline_mode = #tpu.pipeline_mode<synchronous>, transform_indices = @transform_19, window_bounds = array<i64: 4, 128>}, {transform_indices = @transform_20, window_bounds = array<i64: 8192, 128>}]} {
    %eq3A = arith.constant 0 : i32
    %eq3A_0 = arith.cmpi eq, %arg0, %eq3A : i32
    %convert_element_type3A = arith.extui %eq3A_0 : i1 to i32
    %cond3A = arith.constant 0 : i32
    %cond3A_1 = arith.cmpi ne, %convert_element_type3A, %cond3A : i32
    scf.if %cond3A_1 {
      %get3A_38 = arith.constant 0 : index
      %get3A_39 = arith.constant 0 : index
      %get3A_40 = vector.load %arg11[%get3A_38, %get3A_39] : memref<128x10xf32, #tpu.memory_space<vmem>>, vector<128x10xf32>
      %get3A_41 = arith.constant 0 : index
      %get3A_42 = arith.constant 0 : index
      %get3A_43 = vector.load %arg3[%get3A_41, %get3A_42] : memref<10x128xf32, #tpu.memory_space<vmem>>, vector<10x128xf32>
      %dot_general3A_44 = arith.constant dense<0.000000e+00> : vector<128x128xf32>
      %dot_general3A_45 = tpu.matmul %get3A_40, %get3A_43, %dot_general3A_44 {dimension_numbers = #tpu.dot_dimension_numbers<[1], [0], [0], [1], [0, 0, 1, 1], [], []>, transpose_lhs_hint = false} : vector<128x10xf32>, vector<10x128xf32>, vector<128x128xf32> -> vector<128x128xf32>
      %get3A_46 = arith.constant 0 : index
      %get3A_47 = arith.constant 0 : index
      %get3A_48 = vector.load %arg12[%get3A_46, %get3A_47] : memref<128x100xf32, #tpu.memory_space<vmem>>, vector<128x100xf32>
      %get3A_49 = arith.constant 0 : index
      %get3A_50 = arith.constant 0 : index
      %get3A_51 = vector.load %arg4[%get3A_49, %get3A_50] : memref<100x128xf32, #tpu.memory_space<vmem>>, vector<100x128xf32>
      %dot_general3A_52 = arith.constant dense<0.000000e+00> : vector<128x128xf32>
      %dot_general3A_53 = tpu.matmul %get3A_48, %get3A_51, %dot_general3A_52 {dimension_numbers = #tpu.dot_dimension_numbers<[1], [0], [0], [1], [0, 0, 1, 1], [], []>, transpose_lhs_hint = false} : vector<128x100xf32>, vector<100x128xf32>, vector<128x128xf32> -> vector<128x128xf32>
      %add3A_54 = arith.addf %dot_general3A_45, %dot_general3A_53 : vector<128x128xf32>
      %swap3A_55 = arith.constant 0 : index
      %swap3A_56 = arith.constant 0 : index
      %swap3A_57 = vector.load %arg22[%swap3A_55, %swap3A_56] : memref<128x128xf32, #tpu.memory_space<vmem>>, vector<128x128xf32>
      tpu.vector_store %arg22[%swap3A_55, %swap3A_56], %add3A_54 {strides = array<i32>} : memref<128x128xf32, #tpu.memory_space<vmem>>, vector<128x128xf32>,
      %get3A_58 = arith.constant 0 : index
      %get3A_59 = arith.constant 0 : index
      %get3A_60 = vector.load %arg7[%get3A_58, %get3A_59] : memref<1x10xf32, #tpu.memory_space<vmem>>, vector<1x10xf32>
      %get3A_61 = arith.constant 0 : index
      %get3A_62 = arith.constant 0 : index
      %get3A_63 = vector.load %arg13[%get3A_61, %get3A_62] : memref<10x128xf32, #tpu.memory_space<vmem>>, vector<10x128xf32>
      %dot_general3A_64 = arith.constant dense<0.000000e+00> : vector<1x128xf32>
      %dot_general3A_65 = tpu.matmul %get3A_60, %get3A_63, %dot_general3A_64 {dimension_numbers = #tpu.dot_dimension_numbers<[1], [0], [0], [1], [0, 0, 1, 1], [], []>, transpose_lhs_hint = false} : vector<1x10xf32>, vector<10x128xf32>, vector<1x128xf32> -> vector<1x128xf32>
      %get3A_66 = arith.constant 0 : index
      %get3A_67 = arith.constant 0 : index
      %get3A_68 = vector.load %arg8[%get3A_66, %get3A_67] : memref<1x100xf32, #tpu.memory_space<vmem>>, vector<1x100xf32>
      %get3A_69 = arith.constant 0 : index
      %get3A_70 = arith.constant 0 : index
      %get3A_71 = vector.load %arg14[%get3A_69, %get3A_70] : memref<100x128xf32, #tpu.memory_space<vmem>>, vector<100x128xf32>
      %dot_general3A_72 = arith.constant dense<0.000000e+00> : vector<1x128xf32>
      %dot_general3A_73 = tpu.matmul %get3A_68, %get3A_71, %dot_general3A_72 {dimension_numbers = #tpu.dot_dimension_numbers<[1], [0], [0], [1], [0, 0, 1, 1], [], []>, transpose_lhs_hint = false} : vector<1x100xf32>, vector<100x128xf32>, vector<1x128xf32> -> vector<1x128xf32>
      %add3A_74 = arith.addf %dot_general3A_65, %dot_general3A_73 : vector<1x128xf32>
      %get3A_75 = arith.constant 0 : index
      %get3A_76 = arith.constant 0 : index
      %get3A_77 = vector.load %arg18[%get3A_75, %get3A_76] : memref<1x128xf32, #tpu.memory_space<vmem>>, vector<1x128xf32>
      %add3A_78 = arith.addf %add3A_74, %get3A_77 : vector<1x128xf32>
      %swap3A_79 = arith.constant 0 : index
      %swap3A_80 = arith.constant 0 : index
      %swap3A_81 = vector.load %arg23[%swap3A_79, %swap3A_80] : memref<1x128xf32, #tpu.memory_space<vmem>>, vector<1x128xf32>
      tpu.vector_store %arg23[%swap3A_79, %swap3A_80], %add3A_78 {strides = array<i32>} : memref<1x128xf32, #tpu.memory_space<vmem>>, vector<1x128xf32>,
      %get3A_82 = arith.constant 0 : index
      %get3A_83 = arith.constant 0 : index
      %get3A_84 = vector.load %arg9[%get3A_82, %get3A_83] : memref<1x1xf32, #tpu.memory_space<vmem>>, vector<1x1xf32>
      %get3A_85 = arith.constant 0 : index
      %get3A_86 = arith.constant 0 : index
      %get3A_87 = vector.load %arg15[%get3A_85, %get3A_86] : memref<1x128xf32, #tpu.memory_space<vmem>>, vector<1x128xf32>
      %mul3A_88 = vector.broadcast %get3A_84 : vector<1x1xf32> to vector<1x128xf32>
      %mul3A_89 = arith.mulf %mul3A_88, %get3A_87 : vector<1x128xf32>
      %get3A_90 = arith.constant 0 : index
      %get3A_91 = arith.constant 0 : index
      %get3A_92 = vector.load %arg10[%get3A_90, %get3A_91] : memref<1x1xf32, #tpu.memory_space<vmem>>, vector<1x1xf32>
      %get3A_93 = arith.constant 0 : index
      %get3A_94 = arith.constant 0 : index
      %get3A_95 = vector.load %arg16[%get3A_93, %get3A_94] : memref<1x128xf32, #tpu.memory_space<vmem>>, vector<1x128xf32>
      %mul3A_96 = vector.broadcast %get3A_92 : vector<1x1xf32> to vector<1x128xf32>
      %mul3A_97 = arith.mulf %mul3A_96, %get3A_95 : vector<1x128xf32>
      %add3A_98 = arith.addf %mul3A_89, %mul3A_97 : vector<1x128xf32>
      %get3A_99 = arith.constant 0 : index
      %get3A_100 = arith.constant 0 : index
      %get3A_101 = vector.load %arg17[%get3A_99, %get3A_100] : memref<1x128xf32, #tpu.memory_space<vmem>>, vector<1x128xf32>
      %add3A_102 = arith.addf %add3A_98, %get3A_101 : vector<1x128xf32>
      %swap3A_103 = arith.constant 0 : index
      %swap3A_104 = arith.constant 0 : index
      %swap3A_105 = vector.load %arg24[%swap3A_103, %swap3A_104] : memref<1x128xf32, #tpu.memory_space<vmem>>, vector<1x128xf32>
      tpu.vector_store %arg24[%swap3A_103, %swap3A_104], %add3A_102 {strides = array<i32>} : memref<1x128xf32, #tpu.memory_space<vmem>>, vector<1x128xf32>,
      %get3A_106 = arith.constant 0 : index
      %get3A_107 = arith.constant 0 : index
      %get3A_108 = vector.load %arg5[%get3A_106, %get3A_107] : memref<1x128xf32, #tpu.memory_space<vmem>>, vector<1x128xf32>
      %get3A_109 = arith.constant 0 : index
      %get3A_110 = arith.constant 0 : index
      %get3A_111 = vector.load %arg6[%get3A_109, %get3A_110] : memref<1x128xf32, #tpu.memory_space<vmem>>, vector<1x128xf32>
      %add3A_112 = arith.addf %get3A_108, %get3A_111 : vector<1x128xf32>
      %swap3A_113 = arith.constant 0 : index
      %swap3A_114 = arith.constant 0 : index
      %swap3A_115 = vector.load %arg25[%swap3A_113, %swap3A_114] : memref<1x128xf32, #tpu.memory_space<vmem>>, vector<1x128xf32>
      tpu.vector_store %arg25[%swap3A_113, %swap3A_114], %add3A_112 {strides = array<i32>} : memref<1x128xf32, #tpu.memory_space<vmem>>, vector<1x128xf32>,
    } else {
    }
    %get3A = arith.constant 0 : index
    %get3A_2 = arith.constant 0 : index
    %get3A_3 = vector.load %arg1[%get3A, %get3A_2] : memref<8192x4xf32, #tpu.memory_space<vmem>>, vector<8192x4xf32>
    %get3A_4 = arith.constant 0 : index
    %get3A_5 = arith.constant 0 : index
    %get3A_6 = vector.load %arg19[%get3A_4, %get3A_5] : memref<1x4xf32, #tpu.memory_space<vmem>>, vector<1x4xf32>
    %ne3A = arith.constant 0.000000e+00 : f32
    %ne3A_7 = vector.broadcast %ne3A : f32 to vector<1x4xf32>
    %ne3A_8 = arith.cmpf one, %get3A_6, %ne3A_7 : vector<1x4xf32>
    %floor3A = math.floor %get3A_3 : vector<8192x4xf32>
    %broadcast_in_dim3A = vector.shape_cast %ne3A_8 : vector<1x4xi1> to vector<1x4xi1>
    %broadcast_in_dim3A_9 = vector.broadcast %broadcast_in_dim3A : vector<1x4xi1> to vector<8192x4xi1>
    %select_n3A = arith.select %broadcast_in_dim3A_9, %floor3A, %get3A_3 : vector<8192x4xi1>, vector<8192x4xf32>
    %get3A_10 = arith.constant 0 : index
    %get3A_11 = arith.constant 0 : index
    %get3A_12 = vector.load %arg20[%get3A_10, %get3A_11] : memref<4x128xf32, #tpu.memory_space<vmem>>, vector<4x128xf32>
    %dot_general3A = arith.constant dense<0.000000e+00> : vector<8192x128xf32>
    %dot_general3A_13 = tpu.matmul %select_n3A, %get3A_12, %dot_general3A {dimension_numbers = #tpu.dot_dimension_numbers<[1], [0], [0], [1], [0, 0, 1, 1], [], []>, transpose_lhs_hint = false} : vector<8192x4xf32>, vector<4x128xf32>, vector<8192x128xf32> -> vector<8192x128xf32>
    %get3A_14 = arith.constant 0 : index
    %get3A_15 = arith.constant 0 : index
    %get3A_16 = vector.load %arg23[%get3A_14, %get3A_15] : memref<1x128xf32, #tpu.memory_space<vmem>>, vector<1x128xf32>
    %sub3A = vector.broadcast %get3A_16 : vector<1x128xf32> to vector<8192x128xf32>
    %sub3A_17 = arith.subf %dot_general3A_13, %sub3A : vector<8192x128xf32>
    %get3A_18 = arith.constant 0 : index
    %get3A_19 = arith.constant 0 : index
    %get3A_20 = vector.load %arg24[%get3A_18, %get3A_19] : memref<1x128xf32, #tpu.memory_space<vmem>>, vector<1x128xf32>
    %mul3A = vector.broadcast %get3A_20 : vector<1x128xf32> to vector<8192x128xf32>
    %mul3A_21 = arith.mulf %mul3A, %sub3A_17 : vector<8192x128xf32>
    %mul3A_22 = arith.mulf %mul3A_21, %sub3A_17 : vector<8192x128xf32>
    %exp23A = math.exp2 %mul3A_22 : vector<8192x128xf32>
    %get3A_23 = arith.constant 0 : index
    %get3A_24 = arith.constant 0 : index
    %get3A_25 = vector.load %arg22[%get3A_23, %get3A_24] : memref<128x128xf32, #tpu.memory_space<vmem>>, vector<128x128xf32>
    %dot_general3A_26 = arith.constant dense<0.000000e+00> : vector<8192x128xf32>
    %dot_general3A_27 = tpu.matmul %exp23A, %get3A_25, %dot_general3A_26 {dimension_numbers = #tpu.dot_dimension_numbers<[1], [0], [0], [1], [0, 0, 1, 1], [], []>, transpose_lhs_hint = false} : vector<8192x128xf32>, vector<128x128xf32>, vector<8192x128xf32> -> vector<8192x128xf32>
    %get3A_28 = arith.constant 0 : index
    %get3A_29 = arith.constant 0 : index
    %get3A_30 = vector.load %arg25[%get3A_28, %get3A_29] : memref<1x128xf32, #tpu.memory_space<vmem>>, vector<1x128xf32>
    %add3A = vector.broadcast %get3A_30 : vector<1x128xf32> to vector<8192x128xf32>
    %add3A_31 = arith.addf %dot_general3A_27, %add3A : vector<8192x128xf32>
    %get3A_32 = arith.constant 0 : index
    %get3A_33 = arith.constant 0 : index
    %get3A_34 = vector.load %arg2[%get3A_32, %get3A_33] : memref<8192x128xf32, #tpu.memory_space<vmem>>, vector<8192x128xf32>
    %add3A_35 = arith.addf %add3A_31, %get3A_34 : vector<8192x128xf32>
    %swap3A = arith.constant 0 : index
    %swap3A_36 = arith.constant 0 : index
    %swap3A_37 = vector.load %arg21[%swap3A, %swap3A_36] : memref<8192x128xf32, #tpu.memory_space<vmem>>, vector<8192x128xf32>
    tpu.vector_store %arg21[%swap3A, %swap3A_36], %add3A_35 {strides = array<i32>} : memref<8192x128xf32, #tpu.memory_space<vmem>>, vector<8192x128xf32>,
    return
  }
  func.func @transform_0(%arg0: i32) -> (i32, i32) {
    %c0_i32 = arith.constant 0 : i32
    %c0_i32_0 = arith.constant 0 : i32
    return %arg0, %c0_i32 : i32, i32
  }
  func.func @transform_1(%arg0: i32) -> (i32, i32) {
    %c0_i32 = arith.constant 0 : i32
    %c0_i32_0 = arith.constant 0 : i32
    return %arg0, %c0_i32 : i32, i32
  }
  func.func @transform_2(%arg0: i32) -> (i32, i32) {
    %c0_i32 = arith.constant 0 : i32
    %c0_i32_0 = arith.constant 0 : i32
    %c0_i32_1 = arith.constant 0 : i32
    return %c0_i32, %c0_i32_0 : i32, i32
  }
  func.func @transform_3(%arg0: i32) -> (i32, i32) {
    %c0_i32 = arith.constant 0 : i32
    %c0_i32_0 = arith.constant 0 : i32
    %c0_i32_1 = arith.constant 0 : i32
    return %c0_i32, %c0_i32_0 : i32, i32
  }
  func.func @transform_4(%arg0: i32) -> (i32, i32) {
    %c0_i32 = arith.constant 0 : i32
    %c0_i32_0 = arith.constant 0 : i32
    %c0_i32_1 = arith.constant 0 : i32
    return %c0_i32, %c0_i32_0 : i32, i32
  }
  func.func @transform_5(%arg0: i32) -> (i32, i32) {
    %c0_i32 = arith.constant 0 : i32
    %c0_i32_0 = arith.constant 0 : i32
    %c0_i32_1 = arith.constant 0 : i32
    return %c0_i32, %c0_i32_0 : i32, i32
  }
  func.func @transform_6(%arg0: i32) -> (i32, i32) {
    %c0_i32 = arith.constant 0 : i32
    %c0_i32_0 = arith.constant 0 : i32
    %c0_i32_1 = arith.constant 0 : i32
    return %c0_i32, %c0_i32_0 : i32, i32
  }
  func.func @transform_7(%arg0: i32) -> (i32, i32) {
    %c0_i32 = arith.constant 0 : i32
    %c0_i32_0 = arith.constant 0 : i32
    %c0_i32_1 = arith.constant 0 : i32
    return %c0_i32, %c0_i32_0 : i32, i32
  }
  func.func @transform_8(%arg0: i32) -> (i32, i32) {
    %c0_i32 = arith.constant 0 : i32
    %c0_i32_0 = arith.constant 0 : i32
    %c0_i32_1 = arith.constant 0 : i32
    return %c0_i32, %c0_i32_0 : i32, i32
  }
  func.func @transform_9(%arg0: i32) -> (i32, i32) {
    %c0_i32 = arith.constant 0 : i32
    %c0_i32_0 = arith.constant 0 : i32
    %c0_i32_1 = arith.constant 0 : i32
    return %c0_i32, %c0_i32_0 : i32, i32
  }
  func.func @transform_10(%arg0: i32) -> (i32, i32) {
    %c0_i32 = arith.constant 0 : i32
    %c0_i32_0 = arith.constant 0 : i32
    %c0_i32_1 = arith.constant 0 : i32
    return %c0_i32, %c0_i32_0 : i32, i32
  }
  func.func @transform_11(%arg0: i32) -> (i32, i32) {
    %c0_i32 = arith.constant 0 : i32
    %c0_i32_0 = arith.constant 0 : i32
    %c0_i32_1 = arith.constant 0 : i32
    return %c0_i32, %c0_i32_0 : i32, i32
  }
  func.func @transform_12(%arg0: i32) -> (i32, i32) {
    %c0_i32 = arith.constant 0 : i32
    %c0_i32_0 = arith.constant 0 : i32
    %c0_i32_1 = arith.constant 0 : i32
    return %c0_i32, %c0_i32_0 : i32, i32
  }
  func.func @transform_13(%arg0: i32) -> (i32, i32) {
    %c0_i32 = arith.constant 0 : i32
    %c0_i32_0 = arith.constant 0 : i32
    %c0_i32_1 = arith.constant 0 : i32
    return %c0_i32, %c0_i32_0 : i32, i32
  }
  func.func @transform_14(%arg0: i32) -> (i32, i32) {
    %c0_i32 = arith.constant 0 : i32
    %c0_i32_0 = arith.constant 0 : i32
    %c0_i32_1 = arith.constant 0 : i32
    return %c0_i32, %c0_i32_0 : i32, i32
  }
  func.func @transform_15(%arg0: i32) -> (i32, i32) {
    %c0_i32 = arith.constant 0 : i32
    %c0_i32_0 = arith.constant 0 : i32
    %c0_i32_1 = arith.constant 0 : i32
    return %c0_i32, %c0_i32_0 : i32, i32
  }
  func.func @transform_16(%arg0: i32) -> (i32, i32) {
    %c0_i32 = arith.constant 0 : i32
    %c0_i32_0 = arith.constant 0 : i32
    %c0_i32_1 = arith.constant 0 : i32
    return %c0_i32, %c0_i32_0 : i32, i32
  }
  func.func @transform_17(%arg0: i32) -> (i32, i32) {
    %c0_i32 = arith.constant 0 : i32
    %c0_i32_0 = arith.constant 0 : i32
    %c0_i32_1 = arith.constant 0 : i32
    return %c0_i32, %c0_i32_0 : i32, i32
  }
  func.func @transform_18(%arg0: i32) -> (i32, i32) {
    %c0_i32 = arith.constant 0 : i32
    %c0_i32_0 = arith.constant 0 : i32
    %c0_i32_1 = arith.constant 0 : i32
    return %c0_i32, %c0_i32_0 : i32, i32
  }
  func.func @transform_19(%arg0: i32) -> (i32, i32) {
    %c0_i32 = arith.constant 0 : i32
    %c0_i32_0 = arith.constant 0 : i32
    %c0_i32_1 = arith.constant 0 : i32
    return %c0_i32, %c0_i32_0 : i32, i32
  }
  func.func @transform_20(%arg0: i32) -> (i32, i32) {
    %c0_i32 = arith.constant 0 : i32
    %c0_i32_0 = arith.constant 0 : i32
    return %arg0, %c0_i32 : i32, i32
  }
}

</mosaic_0001>

<sc_bundles>
// kernel: kernel.4.cloned.1.call-start
scs
__scs_entry_jumppad:
0x0: {  	(pc) =	sbr.rel $0x88, $3  }
0x1: {  	(tag) =	ssettag $0x0;
	lr =	simm.s32 $0x1  }
0x2: {  	[smem:$0x3F96] =	sst lr;
	_ =	strace $0xD0000000  }
0x3: {  	_ = 	snop  }
0x4: {  	_ = 	snop  }
0x5: {  	_ = 	snop  }
0x6: {  	_ = 	snop  }
0x7: {  	_ = 	snop  }
__scs_overlays_trampoline_lowered:
0x8: {  	[smem:$0x3FA5] =	sst s0  }
0x9: {  	[smem:$0x3FA6] =	sst s1  }
0xa: {  	[smem:$0x3FA7] =	sst s2  }
0xb: {  	[smem:$0x3FA8] =	sst s3  }
0xc: {  	[smem:$0x3FA9] =	sst s4  }
0xd: {  	[smem:$0x3FAA] =	sst s5  }
0xe: {  	[smem:$0x3FAB] =	sst s6  }
0xf: {  	[smem:$0x3FAC] =	sst s7  }
0x10: {  	[smem:$0x3FAD] =	sst s8  }
0x11: {  	[smem:$0x3FAE] =	sst s9;
	s0 =	simm.s32 @!p0 $0x0  }
0x12: {  	s1 =	sld [smem:$0x3F94];
	s0 =	simm.s32 @p0 $0x1  }
0x13: {  	[smem:$0x3FAF] =	sst s0;
	s0 =	simm.s32 @!p1 $0x0  }
0x14: {  	s2 =	sld [smem:$0x3F93];
	s0 =	simm.s32 @p1 $0x1  }
0x15: {  	[smem:$0x3FB0] =	sst s0;
	s0 =	simm.s32 @!p2 $0x0  }
0x16: {  	s3 =	sld [smem:$0x3FDB];
	s0 =	simm.s32 @p2 $0x1  }
0x17: {  	s4 =	simm.s32 $0x1BF5;
	[smem:$0x3FB2] =	sst s0  }
0x18: {  	s0 =	sld [smem:$0x3F95];
	_ =	swait.ge [sflag:s4], $0x0  }
0x19: {  	s7 =	sld [smem:$0x3F96]  }
0x1a: {  	s8 =	sadd.s32 $0xFFFFE003, lr  }
0x1b: {  	s9 =	sadd.s32 $0xFFFFFEF7, lr;
	s5 =	simm.s32 $0xFFFFFFFF;
	p2 =	slt.u32 s8, $0xFFFFF086  }
0x1c: {  	p1 =	slt.u32 s9, $0xF7A;
	s5 =	simm.s32 @!p2 $0x0  }
0x1d: {  	s5 =	simm.s32 @p1 $0x1;
	p0 =	seq.s32 s7, s2  }
0x1e: {  	s7 =	smul.u32 @!p0 $0xF7A, s2;
	p2 =	seq.s32 @!p0 s5, $0x0  }
0x1f: {  	s9 =	smul.u32 $0xF7A, s1;
	s8 =	simm.s32 @!p0 $0x1BF5;
	p2 =	por !p2, p0  }
0x20: {  	[sflag:s8] =	ssyncset.s32 @!p0 $0xFFFFF086;
	s6 =	sadd.s32 @!p0 s3, s7;
	s7 =	simm.s32 @!p0 $0x108  }
0x21: {  	s3 =	sadd.s32 s3, s9;
	s6 =	sadd.s32 @!p0 $0x88, s6;
	s7 =	simm.s32 @p2 $0x1082  }
0x22: {  	[simem:s7], [sflag:s8] =	dma.local @!p0 [hbm:s6], $0xF7A  }
0x23: {  	s9 =	sor.u32 $0xD0000000, s2;
	s6 =	simm.s32 $0x108;
	_ =	swait.ge @!p0 [sflag:s8], $0x0  }
0x24: {  	s3 =	sadd.s32 $0x88, s3;
	s6 =	simm.s32 @!p1 $0x1082;
	[sflag:s4] =	ssyncset.s32 $0xFFFFF086  }
0x25: {  	[simem:s6], [sflag:s4] =	dma.local [hbm:s3], $0xF7A  }
0x26: {  	[smem:$0x3F96] =	sst s1;
	(tag) =	ssettag s2;
	_ =	strace s9  }
0x27: {  	s1 =	sld [smem:$0x3FA6]  }
0x28: {  	s2 =	sld [smem:$0x3FA7]  }
0x29: {  	s4 =	sld [smem:$0x3FA9]  }
0x2a: {  	p0 =	seq.s32 s5, $0x0;
	s5 =	sld [smem:$0x3FAA]  }
0x2b: {  	s6 =	sld [smem:$0x3FAB]  }
0x2c: {  	s7 =	sld [smem:$0x3FAC]  }
0x2d: {  	s3 =	simm.s32 $0x108;
	s8 =	sld [smem:$0x3FAD]  }
0x2e: {  	s3 =	simm.s32 @!p0 $0x1082;
	s9 =	sld [smem:$0x3FAE]  }
0x2f: {  	lr =	sadd.s32 s0, s3;
	s0 =	sld [smem:$0x3FA5]  }
0x30: {  	s3 =	sld [smem:$0x3FA8]  }
0x31: {  	[smem:$0x3FB1] =	sst s10  }
0x32: {  	s10 =	sld [smem:$0x3FAF];
	_ =	sdelay $0x3  }
0x33: {  	p0 =	seq.s32 s10, $0x1;
	s10 =	sld [smem:$0x3FB1];
	_ =	sdelay $0x3  }
0x34: {  	[smem:$0x3FB1] =	sst s10  }
0x35: {  	s10 =	sld [smem:$0x3FB0];
	_ =	sdelay $0x3  }
0x36: {  	p1 =	seq.s32 s10, $0x1;
	s10 =	sld [smem:$0x3FB1];
	_ =	sdelay $0x3  }
0x37: {  	[smem:$0x3FB1] =	sst s10  }
0x38: {  	s10 =	sld [smem:$0x3FB2]  }
0x39: {  	_ = 	snop;
	(pc) =	sbr.ind lr, $3  }
0x3a: {  	_ = 	snop  }
0x3b: {  	_ = 	snop  }
0x3c: {  	p2 =	seq.s32 s10, $0x1;
	s10 =	sld [smem:$0x3FB1]  }
0x3d: {  	_ =	shalt  }
0x3e: {  	_ =	shalt  }
0x3f: {  	_ =	shalt  }
0x40: {  	_ =	shalt  }
0x41: {  	_ =	shalt  }
0x42: {  	_ =	shalt  }
0x43: {  	_ =	shalt  }
0x44: {  	_ =	shalt  }
0x45: {  	_ =	shalt  }
0x46: {  	_ =	shalt  }
0x47: {  	_ =	shalt  }
0x48: {  	_ =	shalt  }
0x49: {  	_ =	shalt  }
0x4a: {  	_ =	shalt  }
0x4b: {  	_ =	shalt  }
0x4c: {  	_ =	shalt  }
0x4d: {  	_ =	shalt  }
0x4e: {  	_ =	shalt  }
0x4f: {  	_ =	shalt  }
0x50: {  	_ =	shalt  }
0x51: {  	_ =	shalt  }
0x52: {  	_ =	shalt  }
0x53: {  	_ =	shalt  }
0x54: {  	_ =	shalt  }
0x55: {  	_ =	shalt  }
0x56: {  	_ =	shalt  }
0x57: {  	_ =	shalt  }
0x58: {  	_ =	shalt  }
0x59: {  	_ =	shalt  }
0x5a: {  	_ =	shalt  }
0x5b: {  	_ =	shalt  }
0x5c: {  	_ =	shalt  }
0x5d: {  	_ =	shalt  }
0x5e: {  	_ =	shalt  }
0x5f: {  	_ =	shalt  }
0x60: {  	_ =	shalt  }
0x61: {  	_ =	shalt  }
0x62: {  	_ =	shalt  }
0x63: {  	_ =	shalt  }
0x64: {  	_ =	shalt  }
0x65: {  	_ =	shalt  }
0x66: {  	_ =	shalt  }
0x67: {  	_ =	shalt  }
0x68: {  	_ =	shalt  }
0x69: {  	_ =	shalt  }
0x6a: {  	_ =	shalt  }
0x6b: {  	_ =	shalt  }
0x6c: {  	_ =	shalt  }
0x6d: {  	_ =	shalt  }
0x6e: {  	_ =	shalt  }
0x6f: {  	_ =	shalt  }
0x70: {  	_ =	shalt  }
0x71: {  	_ =	shalt  }
0x72: {  	_ =	shalt  }
0x73: {  	_ =	shalt  }
0x74: {  	_ =	shalt  }
0x75: {  	_ =	shalt  }
0x76: {  	_ =	shalt  }
0x77: {  	_ =	shalt  }
0x78: {  	_ =	shalt  }
0x79: {  	_ =	shalt  }
0x7a: {  	_ =	shalt  }
0x7b: {  	_ =	shalt  }
0x7c: {  	_ =	shalt  }
0x7d: {  	_ =	shalt  }
0x7e: {  	_ =	shalt  }
0x7f: {  	_ =	shalt  }
0x80: {  	_ =	shalt  }
0x81: {  	_ =	shalt  }
0x82: {  	_ =	shalt  }
0x83: {  	_ =	shalt  }
0x84: {  	_ =	shalt  }
0x85: {  	_ =	shalt  }
0x86: {  	_ =	shalt  }
0x87: {  	_ =	shalt  }
.Lfunc_end0:
.L_simem_size_0:
called_computation_lowered:
.L_overlay_start_0:
0x88: {  	s2 =	sld [smem:$0x3FD9]  }
0x89: {  	s3 =	sld [smem:$0x3FFE];
	_ =	sdelay $0x1  }
0x8a: {  	s1 =	srdreg.scid  }
0x8b: {  	s0 =	sand.u32 $0x1, s1  }
0x8c: {  	s17 =	sshll.u32 s0, $0xA;
	s2 =	sadd.s32 s3, s2  }
0x8d: {  	s2 =	sadd.s32 s2, s17  }
0x8e: {  	[smem:$0x3FBD] =	sst s2  }
0x8f: {  	_ = 	snop  }
0x90: {  	s2 =	sld [smem:$0x3FC0]  }
0x91: {  	s18 =	sld [smem:$0x3FBF]  }
0x92: {  	s4 =	sld [smem:$0x3FD0];
	(tm) =	ssettm $0x1  }
0x93: {  	s5 =	sld [smem:$0x3FFB];
	_ =	sdelay $0x3  }
0x94: {  	_ =	strace s5  }
0x95: {  	s5 =	sld [smem:$0x3FFC];
	_ =	sdelay $0x3  }
0x96: {  	_ =	strace s5  }
0x97: {  	s5 =	sld [smem:$0x3FFD];
	_ =	sdelay $0x3  }
0x98: {  	_ =	strace s5  }
0x99: {  	_ =	strace $0x8FFFFFFF  }
0x9a: {  	s19 =	sld [smem:$0x3FDB];
	_ =	sdelay $0x1  }
0x9b: {  	s6 =	simm.s32 $_scs_section_size  }
0x9c: {  	s7 =	simm.s32 $_size__tile_overlayer_lowered;
	s8 =	simm.s32 $_tile_overlayer_lowered  }
0x9d: {  	s22 =	simm.s32 $0x1BFF;
	s21 =	sshll.u32 s8, $0x1;
	s5 =	sadd.s32 s6, s19  }
0x9e: {  	s9 =	simm.s32 $0x0;
	s20 =	sshll.u32 s7, $0x1;
	s7 =	sadd.s32 s21, s5  }
0x9f: {  	[timem:s9], [sflag:s22] =	dma.local [hbm:s7], s20  }
0xa0: {  	_ =	swait.ge [sflag:s22], s20  }
0xa1: {  	s6 =	ssub.s32 $0x0, s20;
	[sflag:s22] =	ssyncset.done $0x0  }
0xa2: {  	[sflag:s22] =	ssyncadd.s32 s6;
	_ =	sdelay $0x1  }
0xa3: {  	s23 =	simm.s32 $0x1B8B  }
0xa4: {  	_ =	swait.ge [sflag:s23], $0x1  }
0xa5: {  	[sflag:s23] =	ssyncset.done $0x0  }
0xa6: {  	s25 =	simm.s32 $0x1B8E;
	s24 =	sld [smem:$0x3FFE];
	[sflag:s23] =	ssyncadd.s32 $0xFFFFFFFF  }
0xa7: {  	s26 =	simm.s32 $execute0_lowered;
	[smem:$0x3FD2] =	sst s25  }
0xa8: {  	s7 =	sshll.u32 s26, $0x1;
	_ =	strace $0x80000046;
	[dreg:$0x1] =	wrdreg $0xFFFFFFFF  }
0xa9: {  	s28 =	simm.s32 $_size_execute0_lowered;
	s5 =	sadd.s32 s5, s7;
	[dreg:$0x0] =	wrdreg $0x0  }
0xaa: {  	s7 =	sshll.u32 s28, $0x1;
	[dreg:$0x2] =	wrdreg s5  }
0xab: {  	[dreg:$0x3] =	wrdreg s7  }
0xac: {  	[dreg:$0x4] =	wrdreg $0xC0  }
0xad: {  	_ =	task [dreg:s9], $0x5FFFF  }
0xae: {  	[dreg:$0x1] =	wrdreg $0xFFFFFFFF  }
0xaf: {  	[dreg:$0x0] =	wrdreg $0x60  }
0xb0: {  	[dreg:$0x2] =	wrdreg s24  }
0xb1: {  	[dreg:$0x3] =	wrdreg s2  }
0xb2: {  	[dreg:$0x4] =	wrdreg s18  }
0xb3: {  	[dreg:$0x5] =	wrdreg s4  }
0xb4: {  	[dreg:$0x6] =	wrdreg $0x9  }
0xb5: {  	_ =	task.clear_ibuf [dreg:s9], $0x7FFFF;
	_ =	strace $0x90000046  }
0xb6: {  	s29 =	simm.s32 $0x9;
	_ =	strace $0x80000048  }
0xb7: {  	_ =	swait.ge [sflag:s29], $0x1  }
0xb8: {  	[sflag:s29] =	ssyncadd.s32 $0xFFFFFFFF  }
0xb9: {  	_ =	strace $0x90000048  }
0xba: {  	_ =	sfence  }
0xbb: {  	s30 =	sld [smem:$0x0];
	_ =	sdelay $0x2  }
0xbc: {  	s31 =	sshll.u32 s1, $0xD;
	s1 =	sshrl.u32 s1, $0x2  }
0xbd: {  	s3 =	sand.u32 $0x4000, s31;
	s1 =	sadd.s32 s1, s30  }
0xbe: {  	s0 =	sor.u32 s3, s0;
	s1 =	sshll.u32 s1, $0x11  }
0xbf: {  	s0 =	sor.u32 s1, s0  }
0xc0: {  	s0 =	sadd.s32 $0x8F2B, s0  }
0xc1: {  	[sflag:s0] =	ssyncadd.remote.s32 $0x1  }
0xc2: {  	_ =	sfence.sel $0xFFFF  }
0xc3: {  	[dreg:$0x0] =	wrdreg $0xFFFFFFFF;
	(pc) =	sbr.abs _section_cstart, $3  }
0xc4: {  	[dreg:$0x1] =	wrdreg $0xFFFFFFFF  }
0xc5: {  	_ =	task.clear_ibuf [dreg:s9], $0x2FFFF;
	_ =	strace $0x9FFFFFFF  }
0xc6: {  	(tm) =	ssettm $0x7FFFFFFF  }
0xc7: {  	_ =	shalt  }
tec
execute0_lowered:
.L_overlay_start_1:
0x0: {  	(tag) =	ssettag $0x1  }
0x1: {  	s5 =	rddreg [dreg:$0x0]  }
0x2: {  	s1 =	rddreg [dreg:$0x1]  }
0x3: {  	s3 =	rddreg [dreg:$0x2]  }
0x4: {  	s7 =	rddreg [dreg:$0x3];
	s4 =	srdreg.scid  }
0x5: {  	s0 =	rddreg [dreg:$0x4];
	s2 =	stileid.u32;
	s11 =	simm.s32 $0x80  }
0x6: {  	s12 =	simm.s32 $0x400;
	s13 =	simm.s32 $0x800;
	s14 =	simm.s32 $0x1  }
0x7: {  	s15 =	simm.s32 $0x600;
	s16 =	simm.s32 $0x480;
	s17 =	simm.s32 $0x4800  }
0x8: {  	s18 =	simm.s32 $0x680;
	s19 =	simm.s32 $0x500;
	s20 =	simm.s32 $0x8800  }
0x9: {  	s21 =	simm.s32 $0x700;
	s22 =	simm.s32 $0x580;
	s23 =	simm.s32 $0xC800  }
0xa: {  	s24 =	simm.s32 $0x780;
	s25 =	simm.s32 $0x0;
	s6 =	sand.u32 $0x1, s4  }
0xb: {  	s4 =	simm.s32 $0x0;
	s8 =	sshll.u32 s2, $0xA;
	s9 =	sshll.u32 s6, $0x9  }
0xc: {  	[smem:$0x7FF] =	sst s4;
	s6 =	ssub.s32 $0x2, s6;
	s8 =	sor.u32 s9, s8  }
0xd: {  	_ =	strace $0x80000047;
	s10 =	sshrl.u32 s6, $0x1;
	s9 =	sshrl.u32 s8, $0x3  }
0xe: {  	s10 =	ssub.s32 s6, s10;
	s8 =	sshll.u32 s8, $0x4;
	s9 =	sadd.s32 s9, s5  }
0xf: {  	s7 =	sadd.s32 s7, s8;
	s8 =	smax.u32 s10, $0x1;
	s10 =	simm.s32 $0x200  }
0x10: {  	s5 =	sadd.s32 $0x3200, s9;
	s6 =	sadd.s32 $0x2A00, s9;
	s9 =	simm.s32 $0x2  }
.LBB2_1:
0x11: {  	[tilespmem:s4], [sflag:$0x2] =	stream.linear.gather [hbm4b:s5+s4], $0x200, $0x38;
	[tilespmem:$0x10800] =	vst v63  }
0x12: {  	_ =	swait.ge [sflag:s9], $0x200  }
0x13: {  	[sflag:s9] =	ssyncset.done $0x0  }
0x14: {  	[sflag:s9] =	ssyncadd.s32 $0xFFFFFE00  }
0x15: {  	[tilespmem:s10], [sflag:$0x2] =	stream.linear.gather [hbm4b:s6+s4], $0x200, $0x38;
	[tilespmem:$0x10800] =	vst v63  }
0x16: {  	_ =	swait.ge [sflag:s9], $0x200  }
0x17: {  	[sflag:s9] =	ssyncset.done $0x0  }
0x18: {  	s26 =	simm.s32 $0x0;
	[sflag:s9] =	ssyncadd.s32 $0xFFFFFE00  }
0x19: {  	v0 =	vld [tilespmem:s26+$0x200]  }
0x1a: {  	v1 =	vld [tilespmem:s26+$0x0];
	_ =	sdelay $0x1  }
0x1b: {  	s28 =	simm.s32 $0x40  }
.LBB2_2:
0x1c: {  	p0 =	sne.s32 s28, $0x7C0  }
.Ltmp0:
0x1d: {  	s29 =	sshra.s32 s28, $0x2;
	s28 =	sadd.s32 $0x40, s28;
	v2 =	vtrunc.f32 v0;
	(pc) =	sbr.rel @p0 .LBB2_2-.Ltmp0, $4  }
0x1e: {  	v0 =	vld [tilespmem:s29+$0x200];
	v3 =	vtrunc.f32 v1;
	v2 =	vcvt.f32.s32 v2  }
0x1f: {  	v1 =	vld [tilespmem:s29+$0x0];
	v3 =	vcvt.f32.s32 v3  }
0x20: {  	[tilespmem:s26+$0x600] =	vst v2  }
0x21: {  	[tilespmem:s26+$0x400] =	vst v3;
	s26 =	smov.u32 s29  }
0x22: {  	_ = 	snop  }
0x23: {  	v0 =	vtrunc.f32 v0  }
0x24: {  	v1 =	vtrunc.f32 v1;
	v0 =	vcvt.f32.s32 v0  }
0x25: {  	v1 =	vcvt.f32.s32 v1  }
0x26: {  	[tilespmem:s26+$0x600] =	vst v0  }
0x27: {  	[tilespmem:s26+$0x400] =	vst v1  }
0x28: {  	[tilespmem:s13], [sflag:$0x1] =	stream.indirect.gather [hbm4b:s1+s11], $0x80, s12, s11, $0xb8;
	[tilespmem:$0x10800] =	vst v63  }
0x29: {  	_ =	swait.ge [sflag:s14], $0x4000  }
0x2a: {  	[sflag:s14] =	ssyncset.done $0x0  }
0x2b: {  	[sflag:s14] =	ssyncadd.s32 $0xFFFFC000  }
0x2c: {  	[tilespmem:s13], [sflag:$0x1] =	stream.indirect.gather.add.f32 [hbm:s3], $0x80, s15, s11, $0xb8;
	[tilespmem:$0x10800] =	vst v63  }
0x2d: {  	_ =	swait.ge [sflag:s14], $0x4000  }
0x2e: {  	[sflag:s14] =	ssyncset.done $0x0  }
0x2f: {  	[sflag:s14] =	ssyncadd.s32 $0xFFFFC000  }
0x30: {  	[tilespmem:s17], [sflag:$0x1] =	stream.indirect.gather [hbm4b:s1+s11], $0x80, s16, s11, $0xb8;
	[tilespmem:$0x10800] =	vst v63  }
0x31: {  	_ =	swait.ge [sflag:s14], $0x4000  }
0x32: {  	[sflag:s14] =	ssyncset.done $0x0  }
0x33: {  	[sflag:s14] =	ssyncadd.s32 $0xFFFFC000  }
0x34: {  	[tilespmem:s17], [sflag:$0x1] =	stream.indirect.gather.add.f32 [hbm:s3], $0x80, s18, s11, $0xb8;
	[tilespmem:$0x10800] =	vst v63  }
0x35: {  	_ =	swait.ge [sflag:s14], $0x4000  }
0x36: {  	[sflag:s14] =	ssyncset.done $0x0  }
0x37: {  	[sflag:s14] =	ssyncadd.s32 $0xFFFFC000  }
0x38: {  	[tilespmem:s20], [sflag:$0x1] =	stream.indirect.gather [hbm4b:s1+s11], $0x80, s19, s11, $0xb8;
	[tilespmem:$0x10800] =	vst v63  }
0x39: {  	_ =	swait.ge [sflag:s14], $0x4000  }
0x3a: {  	[sflag:s14] =	ssyncset.done $0x0  }
0x3b: {  	[sflag:s14] =	ssyncadd.s32 $0xFFFFC000  }
0x3c: {  	[tilespmem:s20], [sflag:$0x1] =	stream.indirect.gather.add.f32 [hbm:s3], $0x80, s21, s11, $0xb8;
	[tilespmem:$0x10800] =	vst v63  }
0x3d: {  	_ =	swait.ge [sflag:s14], $0x4000  }
0x3e: {  	[sflag:s14] =	ssyncset.done $0x0  }
0x3f: {  	[sflag:s14] =	ssyncadd.s32 $0xFFFFC000  }
0x40: {  	[tilespmem:s23], [sflag:$0x1] =	stream.indirect.gather [hbm4b:s1+s11], $0x80, s22, s11, $0xb8;
	[tilespmem:$0x10800] =	vst v63  }
0x41: {  	_ =	swait.ge [sflag:s14], $0x4000  }
0x42: {  	[sflag:s14] =	ssyncset.done $0x0  }
0x43: {  	[sflag:s14] =	ssyncadd.s32 $0xFFFFC000  }
0x44: {  	[tilespmem:s23], [sflag:$0x1] =	stream.indirect.gather.add.f32 [hbm:s3], $0x80, s24, s11, $0xb8;
	[tilespmem:$0x10800] =	vst v63  }
0x45: {  	s25 =	sadd.s32 $0x1, s25;
	_ =	swait.ge [sflag:s14], $0x4000  }
0x46: {  	p0 =	sne.s32 s25, s8;
	[sflag:s14] =	ssyncset.done $0x0  }
.Ltmp1:
0x47: {  	[sflag:s14] =	ssyncadd.s32 $0xFFFFC000;
	(pc) =	sbr.rel @p0 .LBB2_1-.Ltmp1, $4  }
0x48: {  	[hbm4b:s7+s4] =	stream.linear.scatter [tilespmem:s13], [sflag:$0x2], $0x10000, $0x38;
	[tilespmem:$0x10800] =	vst v63  }
0x49: {  	_ =	swait.ge [sflag:s9], $0x10000  }
0x4a: {  	[sflag:s9] =	ssyncset.done $0x0  }
0x4b: {  	[sflag:s9] =	ssyncadd.s32 $0xFFFF0000  }
0x4c: {  	_ =	sfence.sel $0x180000  }
0x4d: {  	[bflag:$0x0] =	sbarrier.arrive $0xFFFF  }
0x4e: {  	p0 =	sne.s32 s2, $0x0;
	_ =	strace $0x90000047  }
0x4f: {  	s0 =	sadd.s32 @!p0 $0x100000, s0;
	[bflag:$0x2] =	sbarrier.arrive $0xFFFF  }
0x50: {  	[sflag:s0] =	ssyncadd.tile.s32 @!p0 $0x1;
	_ =	shalt  }
.Lfunc_end2:
_tile_overlayer_lowered:
.L_overlay_start_2:
0x51: {  	(tag) =	ssettag $0x2  }
0x52: {  	s0 =	rddreg [dreg:$0x0];
	s2 =	stileid.u32  }
0x53: {  	s1 =	rddreg [dreg:$0x1];
	p0 =	sne.s32 s2, $0x0  }
0x54: {  	s3 =	rddreg [dreg:$0x2];
	[bflag:$0x3] =	sbarrier.arrive $0xFFFF;
	s2 =	simm.s32 @!p0 $0x1C02  }
0x55: {  	[timem:s3], [sflag:s2] =	dma.local @!p0 [hbm:s0], s1  }
0x56: {  	s0 =	simm.s32 @!p0 $0x2  }
0x57: {  	_ =	swait.ge @!p0 [sflag:s0], s1  }
0x58: {  	s1 =	ssub.s32 @!p0 $0x0, s1;
	[sflag:s0] =	ssyncset.done @!p0 $0x0  }
0x59: {  	[sflag:s0] =	ssyncadd.s32 @!p0 s1  }
0x5a: {  	[bflag:$0x3] =	sbarrier.arrive $0xFFFF  }
0x5b: {  	_ =	shalt  }

</sc_bundles>
